<compile_context>
chip_gen: v7x
topology: tpu7x:2x2x1
jax: 0.10.2.dev20260603
libtpu: 0.0.44.dev20260713+nightly
codegen_flags: <defaults>
</compile_context>

<pallas_src>
import functools

import jax
import jax.numpy as jnp
from jax import lax
from jax.experimental import pallas as pl
from jax.experimental.pallas import tpu as pltpu
from jax.experimental.pallas import tpu_sc as plsc

VOCAB = 100000
EMBED = 128
N_POS = 2048
N_SEG = 3
SEQ = 2048
BATCH = 4
N = SEQ * BATCH

NC = 2
NS = 16
NW = NC * NS
CHUNK = 128
NSLICE = 1
NS_ROWS = N // NSLICE
ROWS_PER_W = NS_ROWS // NW
NCH = ROWS_PER_W // CHUNK

INV_SCALE = 1.0 / (float(EMBED) ** 0.5)
EPS = 1e-5 / float(EMBED)

ROWS_BLK = 4096


def _sc_gather2(ids, tok_tab, comb_tab, sl):

    @functools.partial(
        pl.kernel,
        mesh=plsc.VectorSubcoreMesh(core_axis_name="c", subcore_axis_name="s"),
        out_type=[
            jax.ShapeDtypeStruct((NS_ROWS, EMBED), jnp.float32),
            jax.ShapeDtypeStruct((NS_ROWS, EMBED), jnp.float32),
        ],
        scratch_types=[
            pltpu.VMEM((NCH, CHUNK), jnp.int32),
            pltpu.VMEM((NCH, CHUNK), jnp.int32),
            pltpu.VMEM((ROWS_PER_W, EMBED), jnp.float32),
            pltpu.VMEM((ROWS_PER_W, EMBED), jnp.float32),
            pltpu.SemaphoreType.DMA,
            pltpu.SemaphoreType.DMA,
        ],
    )
    def k(ids_hbm, tok_tab_hbm, comb_tab_hbm,
          tok_out, comb_out, tidx_v, cidx_v, trows_v, crows_v, gsem, wsem):
        wid = lax.axis_index("s") * NC + lax.axis_index("c")
        base = wid * ROWS_PER_W
        pltpu.sync_copy(ids_hbm.at[0, sl, wid], tidx_v)
        pltpu.sync_copy(ids_hbm.at[1, sl, wid], cidx_v)
        gathers = []
        for c in range(NCH):
            dst = pl.ds(c * CHUNK, CHUNK)
            gathers.append(pltpu.async_copy(
                tok_tab_hbm.at[tidx_v.at[c]], trows_v.at[dst], gsem))
            gathers.append(pltpu.async_copy(
                comb_tab_hbm.at[cidx_v.at[c]], crows_v.at[dst], gsem))
        for d in gathers:
            d.wait()
        writes = [
            pltpu.async_copy(trows_v, tok_out.at[pl.ds(base, ROWS_PER_W)], wsem),
            pltpu.async_copy(crows_v, comb_out.at[pl.ds(base, ROWS_PER_W)], wsem),
        ]
        for w in writes:
            w.wait()

    return k(ids, tok_tab, comb_tab)


def _tc_body(a_ref, b_ref, gam_ref, bet_ref, out_ref):
    x = a_ref[...] + b_ref[...]
    mean = jnp.mean(x, axis=1, keepdims=True)
    ctr = x - mean
    var = jnp.mean(ctr * ctr, axis=1, keepdims=True)
    out_ref[...] = ctr * lax.rsqrt(var + EPS) * gam_ref[...] + bet_ref[...]


def _tc_add_ln(a, b, gamma2d, beta2d):
    return pl.pallas_call(
        _tc_body,
        grid=(NS_ROWS // ROWS_BLK,),
        in_specs=[
            pl.BlockSpec((ROWS_BLK, EMBED), lambda i: (i, 0)),
            pl.BlockSpec((ROWS_BLK, EMBED), lambda i: (i, 0)),
            pl.BlockSpec((1, EMBED), lambda i: (0, 0)),
            pl.BlockSpec((1, EMBED), lambda i: (0, 0)),
        ],
        out_specs=pl.BlockSpec((ROWS_BLK, EMBED), lambda i: (i, 0)),
        out_shape=jax.ShapeDtypeStruct((NS_ROWS, EMBED), jnp.float32),
        compiler_params=pltpu.CompilerParams(
            dimension_semantics=("parallel",),
        ),
    )(a, b, gamma2d, beta2d)


def kernel(token_sequence, segment_indices, position_indices, token_table,
           segment_table, position_table, ln_gamma, ln_beta):
    comb_flat = (segment_indices.astype(jnp.int32) * N_POS
                 + position_indices.astype(jnp.int32)).reshape(-1)
    ids = jnp.concatenate(
        [token_sequence.astype(jnp.int32).reshape(-1), comb_flat]
    ).reshape(2, NSLICE, NW, NCH, CHUNK)
    comb_tab = ((segment_table[:, None, :] + position_table[None, :, :])
                * INV_SCALE).reshape(N_SEG * N_POS, EMBED)
    gamma2d = ln_gamma.reshape(1, EMBED)
    beta2d = ln_beta.reshape(1, EMBED)
    tok_rows, comb_rows = _sc_gather2(ids, token_table, comb_tab, 0)
    out = _tc_add_ln(tok_rows, comb_rows, gamma2d, beta2d)
    return out.reshape(SEQ, BATCH, EMBED)

# --- scband reference (transcript-rebuilt; emitter-appended) ---
"""Pipeline reference for scband-transformer-embedding-25769803795 (READ-ONLY COPY).

The authoritative reference and input builder live on the scoring server;
editing this copy changes nothing except your own understanding.
"""

import jax, jax.numpy as jnp
import numpy as np

VOCAB = 100000
EMBED = 128
N_POS = 2048
N_SEG = 3
SEQ = 2048
BATCH = 4

def setup_inputs(seed: int = 0) -> dict:
    key = jax.random.key(seed)
    k1, k2, k3, k4, k5, k6 = jax.random.split(key, 6)
    token_sequence = jax.random.randint(k1, (SEQ, BATCH), 0, VOCAB, dtype=jnp.int64 if jax.config.jax_enable_x64 else jnp.int32)
    segment_indices = jax.random.randint(k2, (SEQ, BATCH), 0, N_SEG, dtype=jnp.int64 if jax.config.jax_enable_x64 else jnp.int32)
    position_indices = jax.random.randint(k3, (SEQ, BATCH), 0, N_POS, dtype=jnp.int64 if jax.config.jax_enable_x64 else jnp.int32)
    token_table = jax.random.normal(k4, (VOCAB, EMBED), dtype=jnp.float32) * 0.02
    segment_table = jax.random.normal(k5, (N_SEG, EMBED), dtype=jnp.float32) * 0.02
    position_table = jax.random.normal(k6, (N_POS, EMBED), dtype=jnp.float32) * 0.02
    # padding_idx=0 rows are zero in torch nn.Embedding
    token_table = token_table.at[0].set(0.0)
    segment_table = segment_table.at[0].set(0.0)
    position_table = position_table.at[0].set(0.0)
    ln_gamma = jnp.ones((EMBED,), dtype=jnp.float32)
    ln_beta = jnp.zeros((EMBED,), dtype=jnp.float32)
    return {
        'token_sequence': token_sequence,
        'segment_indices': segment_indices,
        'position_indices': position_indices,
        'token_table': token_table,
        'segment_table': segment_table,
        'position_table': position_table,
        'ln_gamma': ln_gamma,
        'ln_beta': ln_beta,
    }

def _layer_norm(x, gamma, beta, eps=1e-5):
    mean = jnp.mean(x, axis=-1, keepdims=True)
    var = jnp.mean(jnp.square(x - mean), axis=-1, keepdims=True)
    return (x - mean) / jnp.sqrt(var + eps) * gamma + beta

def reference(token_sequence, segment_indices, position_indices, token_table, segment_table, position_table, ln_gamma, ln_beta):
    scaling = EMBED ** 0.5
    token_emb = jnp.take(token_table, token_sequence, axis=0) * scaling
    segment_emb = jnp.take(segment_table, segment_indices, axis=0)
    position_emb = jnp.take(position_table, position_indices, axis=0)
    emb = token_emb + segment_emb + position_emb
    emb = _layer_norm(emb, ln_gamma, ln_beta)
    # dropout=0.0 / eval mode -> identity
    return emb

if __name__ == "__main__":
    import jax
    _d = setup_inputs()
    print(jax.jit(kernel)(*tuple(_d.values())))

</pallas_src>

<mosaic_0001>
#map = affine_map<(d0, d1) -> (0, 0, 0, 0, 0)>
#map1 = affine_map<(d0, d1) -> (0, 0)>
module attributes {stable_mosaic.version = 14 : i64} {
  func.func @k(%arg0: i32, %arg1: i32, %arg2: memref<2x1x32x2x128xi32, #tpu.memory_space<hbm>>, %arg3: memref<100000x128xf32, #tpu.memory_space<hbm>>, %arg4: memref<6144x128xf32, #tpu.memory_space<hbm>>, %arg5: memref<8192x128xf32, #tpu.memory_space<hbm>>, %arg6: memref<8192x128xf32, #tpu.memory_space<hbm>>, %arg7: memref<2x128xi32, #tpu.memory_space<vmem>>, %arg8: memref<2x128xi32, #tpu.memory_space<vmem>>, %arg9: memref<256x128xf32, #tpu.memory_space<vmem>>, %arg10: memref<256x128xf32, #tpu.memory_space<vmem>>, %arg11: memref<!tpu.dma_semaphore, #tpu.memory_space<semaphore_mem>>, %arg12: memref<!tpu.dma_semaphore, #tpu.memory_space<semaphore_mem>>) attributes {dimension_semantics = [#tpu.dimension_semantics<core_parallel>, #tpu.dimension_semantics<subcore_parallel>], iteration_bounds = array<i64: 2, 16>, scalar_prefetch = 0 : i64, scratch_operands = 6 : i64, tpu.core_type = #tpu.core_type<sc_vector_subcore>, window_params = [{transform_indices = #map}, {transform_indices = #map1}, {transform_indices = #map1}, {transform_indices = #map1}, {transform_indices = #map1}]} {
    %mul3A = arith.constant 2 : i32
    %mul3A_0 = arith.muli %arg1, %mul3A : i32
    %add3A = arith.addi %mul3A_0, %arg0 : i32
    %mul3A_1 = arith.constant 256 : i32
    %mul3A_2 = arith.muli %add3A, %mul3A_1 : i32
    %run_scoped3A = arith.constant 0 : i32
    %run_scoped3A_3 = arith.constant 0 : i32
    "tpu.region"() ({
      %run_scoped3A_100 = tpu.sem_alloc : memref<!tpu.dma_semaphore, #tpu.memory_space<semaphore_mem>>
      %dma_start3A_101 = arith.constant 0 : i32
      %dma_start3A_102 = arith.constant 0 : i32
      %dma_start3A_103 = tpu.memref_slice %arg2[%run_scoped3A, %run_scoped3A_3, %add3A, %dma_start3A_101, %dma_start3A_102] : memref<2x1x32x2x128xi32, #tpu.memory_space<hbm>> -> memref<1x1x1x2x128xi32, #tpu.memory_space<hbm>>
      %dma_start3A_104 = tpu.memref_squeeze %dma_start3A_103 : memref<1x1x1x2x128xi32, #tpu.memory_space<hbm>> -> memref<2x128xi32, #tpu.memory_space<hbm>>
      %dma_start3A_105 = arith.constant 0 : i32
      %dma_start3A_106 = arith.constant 0 : i32
      %dma_start3A_107 = tpu.memref_slice %arg2[%run_scoped3A, %run_scoped3A_3, %add3A, %dma_start3A_105, %dma_start3A_106] : memref<2x1x32x2x128xi32, #tpu.memory_space<hbm>> -> memref<1x1x1x2x128xi32, #tpu.memory_space<hbm>>
      %dma_start3A_108 = tpu.memref_squeeze %dma_start3A_107 : memref<1x1x1x2x128xi32, #tpu.memory_space<hbm>> -> memref<2x128xi32, #tpu.memory_space<hbm>>
      tpu.enqueue_dma source(%dma_start3A_108 : memref<2x128xi32, #tpu.memory_space<hbm>>) target(%arg7 : memref<2x128xi32, #tpu.memory_space<vmem>>) target_semaphore(%run_scoped3A_100 : memref<!tpu.dma_semaphore, #tpu.memory_space<semaphore_mem>>)
      %dma_wait3A_109 = arith.constant 0 : i32
      %dma_wait3A_110 = arith.constant 0 : i32
      %dma_wait3A_111 = tpu.memref_slice %arg2[%run_scoped3A, %run_scoped3A_3, %add3A, %dma_wait3A_109, %dma_wait3A_110] : memref<2x1x32x2x128xi32, #tpu.memory_space<hbm>> -> memref<1x1x1x2x128xi32, #tpu.memory_space<hbm>>
      %dma_wait3A_112 = tpu.memref_squeeze %dma_wait3A_111 : memref<1x1x1x2x128xi32, #tpu.memory_space<hbm>> -> memref<2x128xi32, #tpu.memory_space<hbm>>
      %dma_wait3A_113 = arith.constant 0 : i32
      %dma_wait3A_114 = arith.constant 0 : i32
      %dma_wait3A_115 = tpu.memref_slice %arg2[%run_scoped3A, %run_scoped3A_3, %add3A, %dma_wait3A_113, %dma_wait3A_114] : memref<2x1x32x2x128xi32, #tpu.memory_space<hbm>> -> memref<1x1x1x2x128xi32, #tpu.memory_space<hbm>>
      %dma_wait3A_116 = tpu.memref_squeeze %dma_wait3A_115 : memref<1x1x1x2x128xi32, #tpu.memory_space<hbm>> -> memref<2x128xi32, #tpu.memory_space<hbm>>
      tpu.wait_dma2 semaphore(%run_scoped3A_100 : memref<!tpu.dma_semaphore, #tpu.memory_space<semaphore_mem>>) src(%dma_wait3A_116 : memref<2x128xi32, #tpu.memory_space<hbm>>) dst(%arg7 : memref<2x128xi32, #tpu.memory_space<vmem>>)
      tpu.yield
    }) : () -> ()
    %run_scoped3A_4 = arith.constant 1 : i32
    %run_scoped3A_5 = arith.constant 0 : i32
    "tpu.region"() ({
      %run_scoped3A_100 = tpu.sem_alloc : memref<!tpu.dma_semaphore, #tpu.memory_space<semaphore_mem>>
      %dma_start3A_101 = arith.constant 0 : i32
      %dma_start3A_102 = arith.constant 0 : i32
      %dma_start3A_103 = tpu.memref_slice %arg2[%run_scoped3A_4, %run_scoped3A_5, %add3A, %dma_start3A_101, %dma_start3A_102] : memref<2x1x32x2x128xi32, #tpu.memory_space<hbm>> -> memref<1x1x1x2x128xi32, #tpu.memory_space<hbm>>
      %dma_start3A_104 = tpu.memref_squeeze %dma_start3A_103 : memref<1x1x1x2x128xi32, #tpu.memory_space<hbm>> -> memref<2x128xi32, #tpu.memory_space<hbm>>
      %dma_start3A_105 = arith.constant 0 : i32
      %dma_start3A_106 = arith.constant 0 : i32
      %dma_start3A_107 = tpu.memref_slice %arg2[%run_scoped3A_4, %run_scoped3A_5, %add3A, %dma_start3A_105, %dma_start3A_106] : memref<2x1x32x2x128xi32, #tpu.memory_space<hbm>> -> memref<1x1x1x2x128xi32, #tpu.memory_space<hbm>>
      %dma_start3A_108 = tpu.memref_squeeze %dma_start3A_107 : memref<1x1x1x2x128xi32, #tpu.memory_space<hbm>> -> memref<2x128xi32, #tpu.memory_space<hbm>>
      tpu.enqueue_dma source(%dma_start3A_108 : memref<2x128xi32, #tpu.memory_space<hbm>>) target(%arg8 : memref<2x128xi32, #tpu.memory_space<vmem>>) target_semaphore(%run_scoped3A_100 : memref<!tpu.dma_semaphore, #tpu.memory_space<semaphore_mem>>)
      %dma_wait3A_109 = arith.constant 0 : i32
      %dma_wait3A_110 = arith.constant 0 : i32
      %dma_wait3A_111 = tpu.memref_slice %arg2[%run_scoped3A_4, %run_scoped3A_5, %add3A, %dma_wait3A_109, %dma_wait3A_110] : memref<2x1x32x2x128xi32, #tpu.memory_space<hbm>> -> memref<1x1x1x2x128xi32, #tpu.memory_space<hbm>>
      %dma_wait3A_112 = tpu.memref_squeeze %dma_wait3A_111 : memref<1x1x1x2x128xi32, #tpu.memory_space<hbm>> -> memref<2x128xi32, #tpu.memory_space<hbm>>
      %dma_wait3A_113 = arith.constant 0 : i32
      %dma_wait3A_114 = arith.constant 0 : i32
      %dma_wait3A_115 = tpu.memref_slice %arg2[%run_scoped3A_4, %run_scoped3A_5, %add3A, %dma_wait3A_113, %dma_wait3A_114] : memref<2x1x32x2x128xi32, #tpu.memory_space<hbm>> -> memref<1x1x1x2x128xi32, #tpu.memory_space<hbm>>
      %dma_wait3A_116 = tpu.memref_squeeze %dma_wait3A_115 : memref<1x1x1x2x128xi32, #tpu.memory_space<hbm>> -> memref<2x128xi32, #tpu.memory_space<hbm>>
      tpu.wait_dma2 semaphore(%run_scoped3A_100 : memref<!tpu.dma_semaphore, #tpu.memory_space<semaphore_mem>>) src(%dma_wait3A_116 : memref<2x128xi32, #tpu.memory_space<hbm>>) dst(%arg8 : memref<2x128xi32, #tpu.memory_space<vmem>>)
      tpu.yield
    }) : () -> ()
    %dma_start3A = arith.constant 0 : i32
    %dma_start3A_6 = arith.constant 0 : i32
    %dma_start3A_7 = arith.constant 0 : i32
    %dma_start3A_8 = tpu.memref_slice %arg9[%dma_start3A_6, %dma_start3A_7] : memref<256x128xf32, #tpu.memory_space<vmem>> -> memref<128x128xf32, #tpu.memory_space<vmem>>
    %dma_start3A_9 = arith.constant 0 : i32
    %dma_start3A_10 = tpu.memref_slice %arg7[%dma_start3A, %dma_start3A_9] : memref<2x128xi32, #tpu.memory_space<vmem>> -> memref<1x128xi32, #tpu.memory_space<vmem>>
    %dma_start3A_11 = tpu.memref_squeeze %dma_start3A_10 : memref<1x128xi32, #tpu.memory_space<vmem>> -> memref<128xi32, #tpu.memory_space<vmem>>
    %dma_start3A_12 = arith.constant 0 : i32
    %dma_start3A_13 = arith.constant 0 : i32
    %dma_start3A_14 = tpu.memref_slice %arg3[%dma_start3A_12, %dma_start3A_13] : memref<100000x128xf32, #tpu.memory_space<hbm>> -> memref<100000x128xf32, #tpu.memory_space<hbm>>
    tpu.enqueue_indirect_dma source(%dma_start3A_14 : memref<100000x128xf32, #tpu.memory_space<hbm>>) target(%dma_start3A_8 : memref<128x128xf32, #tpu.memory_space<vmem>>) offsets(%dma_start3A_11 : memref<128xi32, #tpu.memory_space<vmem>>) semaphore(%arg11 : memref<!tpu.dma_semaphore, #tpu.memory_space<semaphore_mem>>)
    %dma_start3A_15 = arith.constant 0 : i32
    %dma_start3A_16 = arith.constant 0 : i32
    %dma_start3A_17 = arith.constant 0 : i32
    %dma_start3A_18 = tpu.memref_slice %arg10[%dma_start3A_16, %dma_start3A_17] : memref<256x128xf32, #tpu.memory_space<vmem>> -> memref<128x128xf32, #tpu.memory_space<vmem>>
    %dma_start3A_19 = arith.constant 0 : i32
    %dma_start3A_20 = tpu.memref_slice %arg8[%dma_start3A_15, %dma_start3A_19] : memref<2x128xi32, #tpu.memory_space<vmem>> -> memref<1x128xi32, #tpu.memory_space<vmem>>
    %dma_start3A_21 = tpu.memref_squeeze %dma_start3A_20 : memref<1x128xi32, #tpu.memory_space<vmem>> -> memref<128xi32, #tpu.memory_space<vmem>>
    %dma_start3A_22 = arith.constant 0 : i32
    %dma_start3A_23 = arith.constant 0 : i32
    %dma_start3A_24 = tpu.memref_slice %arg4[%dma_start3A_22, %dma_start3A_23] : memref<6144x128xf32, #tpu.memory_space<hbm>> -> memref<6144x128xf32, #tpu.memory_space<hbm>>
    tpu.enqueue_indirect_dma source(%dma_start3A_24 : memref<6144x128xf32, #tpu.memory_space<hbm>>) target(%dma_start3A_18 : memref<128x128xf32, #tpu.memory_space<vmem>>) offsets(%dma_start3A_21 : memref<128xi32, #tpu.memory_space<vmem>>) semaphore(%arg11 : memref<!tpu.dma_semaphore, #tpu.memory_space<semaphore_mem>>)
    %dma_start3A_25 = arith.constant 1 : i32
    %dma_start3A_26 = arith.constant 128 : i32
    %dma_start3A_27 = arith.constant 0 : i32
    %dma_start3A_28 = tpu.memref_slice %arg9[%dma_start3A_26, %dma_start3A_27] : memref<256x128xf32, #tpu.memory_space<vmem>> -> memref<128x128xf32, #tpu.memory_space<vmem>>
    %dma_start3A_29 = arith.constant 0 : i32
    %dma_start3A_30 = tpu.memref_slice %arg7[%dma_start3A_25, %dma_start3A_29] : memref<2x128xi32, #tpu.memory_space<vmem>> -> memref<1x128xi32, #tpu.memory_space<vmem>>
    %dma_start3A_31 = tpu.memref_squeeze %dma_start3A_30 : memref<1x128xi32, #tpu.memory_space<vmem>> -> memref<128xi32, #tpu.memory_space<vmem>>
    %dma_start3A_32 = arith.constant 0 : i32
    %dma_start3A_33 = arith.constant 0 : i32
    %dma_start3A_34 = tpu.memref_slice %arg3[%dma_start3A_32, %dma_start3A_33] : memref<100000x128xf32, #tpu.memory_space<hbm>> -> memref<100000x128xf32, #tpu.memory_space<hbm>>
    tpu.enqueue_indirect_dma source(%dma_start3A_34 : memref<100000x128xf32, #tpu.memory_space<hbm>>) target(%dma_start3A_28 : memref<128x128xf32, #tpu.memory_space<vmem>>) offsets(%dma_start3A_31 : memref<128xi32, #tpu.memory_space<vmem>>) semaphore(%arg11 : memref<!tpu.dma_semaphore, #tpu.memory_space<semaphore_mem>>)
    %dma_start3A_35 = arith.constant 1 : i32
    %dma_start3A_36 = arith.constant 128 : i32
    %dma_start3A_37 = arith.constant 0 : i32
    %dma_start3A_38 = tpu.memref_slice %arg10[%dma_start3A_36, %dma_start3A_37] : memref<256x128xf32, #tpu.memory_space<vmem>> -> memref<128x128xf32, #tpu.memory_space<vmem>>
    %dma_start3A_39 = arith.constant 0 : i32
    %dma_start3A_40 = tpu.memref_slice %arg8[%dma_start3A_35, %dma_start3A_39] : memref<2x128xi32, #tpu.memory_space<vmem>> -> memref<1x128xi32, #tpu.memory_space<vmem>>
    %dma_start3A_41 = tpu.memref_squeeze %dma_start3A_40 : memref<1x128xi32, #tpu.memory_space<vmem>> -> memref<128xi32, #tpu.memory_space<vmem>>
    %dma_start3A_42 = arith.constant 0 : i32
    %dma_start3A_43 = arith.constant 0 : i32
    %dma_start3A_44 = tpu.memref_slice %arg4[%dma_start3A_42, %dma_start3A_43] : memref<6144x128xf32, #tpu.memory_space<hbm>> -> memref<6144x128xf32, #tpu.memory_space<hbm>>
    tpu.enqueue_indirect_dma source(%dma_start3A_44 : memref<6144x128xf32, #tpu.memory_space<hbm>>) target(%dma_start3A_38 : memref<128x128xf32, #tpu.memory_space<vmem>>) offsets(%dma_start3A_41 : memref<128xi32, #tpu.memory_space<vmem>>) semaphore(%arg11 : memref<!tpu.dma_semaphore, #tpu.memory_space<semaphore_mem>>)
    %dma_wait3A = arith.constant 0 : i32
    %dma_wait3A_45 = arith.constant 0 : i32
    %dma_wait3A_46 = arith.constant 0 : i32
    %dma_wait3A_47 = tpu.memref_slice %arg9[%dma_wait3A_45, %dma_wait3A_46] : memref<256x128xf32, #tpu.memory_space<vmem>> -> memref<128x128xf32, #tpu.memory_space<vmem>>
    %dma_wait3A_48 = arith.constant 0 : i32
    %dma_wait3A_49 = tpu.memref_slice %arg7[%dma_wait3A, %dma_wait3A_48] : memref<2x128xi32, #tpu.memory_space<vmem>> -> memref<1x128xi32, #tpu.memory_space<vmem>>
    %dma_wait3A_50 = tpu.memref_squeeze %dma_wait3A_49 : memref<1x128xi32, #tpu.memory_space<vmem>> -> memref<128xi32, #tpu.memory_space<vmem>>
    %dma_wait3A_51 = arith.constant 0 : i32
    %dma_wait3A_52 = arith.constant 0 : i32
    %dma_wait3A_53 = tpu.memref_slice %arg3[%dma_wait3A_51, %dma_wait3A_52] : memref<100000x128xf32, #tpu.memory_space<hbm>> -> memref<100000x128xf32, #tpu.memory_space<hbm>>
    tpu.wait_indirect_dma semaphore(%arg11 : memref<!tpu.dma_semaphore, #tpu.memory_space<semaphore_mem>>) src(%dma_wait3A_53 : memref<100000x128xf32, #tpu.memory_space<hbm>>) dst(%dma_wait3A_47 : memref<128x128xf32, #tpu.memory_space<vmem>>)
    %dma_wait3A_54 = arith.constant 0 : i32
    %dma_wait3A_55 = arith.constant 0 : i32
    %dma_wait3A_56 = arith.constant 0 : i32
    %dma_wait3A_57 = tpu.memref_slice %arg10[%dma_wait3A_55, %dma_wait3A_56] : memref<256x128xf32, #tpu.memory_space<vmem>> -> memref<128x128xf32, #tpu.memory_space<vmem>>
    %dma_wait3A_58 = arith.constant 0 : i32
    %dma_wait3A_59 = tpu.memref_slice %arg8[%dma_wait3A_54, %dma_wait3A_58] : memref<2x128xi32, #tpu.memory_space<vmem>> -> memref<1x128xi32, #tpu.memory_space<vmem>>
    %dma_wait3A_60 = tpu.memref_squeeze %dma_wait3A_59 : memref<1x128xi32, #tpu.memory_space<vmem>> -> memref<128xi32, #tpu.memory_space<vmem>>
    %dma_wait3A_61 = arith.constant 0 : i32
    %dma_wait3A_62 = arith.constant 0 : i32
    %dma_wait3A_63 = tpu.memref_slice %arg4[%dma_wait3A_61, %dma_wait3A_62] : memref<6144x128xf32, #tpu.memory_space<hbm>> -> memref<6144x128xf32, #tpu.memory_space<hbm>>
    tpu.wait_indirect_dma semaphore(%arg11 : memref<!tpu.dma_semaphore, #tpu.memory_space<semaphore_mem>>) src(%dma_wait3A_63 : memref<6144x128xf32, #tpu.memory_space<hbm>>) dst(%dma_wait3A_57 : memref<128x128xf32, #tpu.memory_space<vmem>>)
    %dma_wait3A_64 = arith.constant 1 : i32
    %dma_wait3A_65 = arith.constant 128 : i32
    %dma_wait3A_66 = arith.constant 0 : i32
    %dma_wait3A_67 = tpu.memref_slice %arg9[%dma_wait3A_65, %dma_wait3A_66] : memref<256x128xf32, #tpu.memory_space<vmem>> -> memref<128x128xf32, #tpu.memory_space<vmem>>
    %dma_wait3A_68 = arith.constant 0 : i32
    %dma_wait3A_69 = tpu.memref_slice %arg7[%dma_wait3A_64, %dma_wait3A_68] : memref<2x128xi32, #tpu.memory_space<vmem>> -> memref<1x128xi32, #tpu.memory_space<vmem>>
    %dma_wait3A_70 = tpu.memref_squeeze %dma_wait3A_69 : memref<1x128xi32, #tpu.memory_space<vmem>> -> memref<128xi32, #tpu.memory_space<vmem>>
    %dma_wait3A_71 = arith.constant 0 : i32
    %dma_wait3A_72 = arith.constant 0 : i32
    %dma_wait3A_73 = tpu.memref_slice %arg3[%dma_wait3A_71, %dma_wait3A_72] : memref<100000x128xf32, #tpu.memory_space<hbm>> -> memref<100000x128xf32, #tpu.memory_space<hbm>>
    tpu.wait_indirect_dma semaphore(%arg11 : memref<!tpu.dma_semaphore, #tpu.memory_space<semaphore_mem>>) src(%dma_wait3A_73 : memref<100000x128xf32, #tpu.memory_space<hbm>>) dst(%dma_wait3A_67 : memref<128x128xf32, #tpu.memory_space<vmem>>)
    %dma_wait3A_74 = arith.constant 1 : i32
    %dma_wait3A_75 = arith.constant 128 : i32
    %dma_wait3A_76 = arith.constant 0 : i32
    %dma_wait3A_77 = tpu.memref_slice %arg10[%dma_wait3A_75, %dma_wait3A_76] : memref<256x128xf32, #tpu.memory_space<vmem>> -> memref<128x128xf32, #tpu.memory_space<vmem>>
    %dma_wait3A_78 = arith.constant 0 : i32
    %dma_wait3A_79 = tpu.memref_slice %arg8[%dma_wait3A_74, %dma_wait3A_78] : memref<2x128xi32, #tpu.memory_space<vmem>> -> memref<1x128xi32, #tpu.memory_space<vmem>>
    %dma_wait3A_80 = tpu.memref_squeeze %dma_wait3A_79 : memref<1x128xi32, #tpu.memory_space<vmem>> -> memref<128xi32, #tpu.memory_space<vmem>>
    %dma_wait3A_81 = arith.constant 0 : i32
    %dma_wait3A_82 = arith.constant 0 : i32
    %dma_wait3A_83 = tpu.memref_slice %arg4[%dma_wait3A_81, %dma_wait3A_82] : memref<6144x128xf32, #tpu.memory_space<hbm>> -> memref<6144x128xf32, #tpu.memory_space<hbm>>
    tpu.wait_indirect_dma semaphore(%arg11 : memref<!tpu.dma_semaphore, #tpu.memory_space<semaphore_mem>>) src(%dma_wait3A_83 : memref<6144x128xf32, #tpu.memory_space<hbm>>) dst(%dma_wait3A_77 : memref<128x128xf32, #tpu.memory_space<vmem>>)
    %dma_start3A_84 = arith.constant 0 : i32
    %dma_start3A_85 = tpu.memref_slice %arg5[%mul3A_2, %dma_start3A_84] : memref<8192x128xf32, #tpu.memory_space<hbm>> -> memref<256x128xf32, #tpu.memory_space<hbm>>
    %dma_start3A_86 = arith.constant 0 : i32
    %dma_start3A_87 = tpu.memref_slice %arg5[%mul3A_2, %dma_start3A_86] : memref<8192x128xf32, #tpu.memory_space<hbm>> -> memref<256x128xf32, #tpu.memory_space<hbm>>
    tpu.enqueue_dma source(%arg9 : memref<256x128xf32, #tpu.memory_space<vmem>>) target(%dma_start3A_87 : memref<256x128xf32, #tpu.memory_space<hbm>>) target_semaphore(%arg12 : memref<!tpu.dma_semaphore, #tpu.memory_space<semaphore_mem>>)
    %dma_start3A_88 = arith.constant 0 : i32
    %dma_start3A_89 = tpu.memref_slice %arg6[%mul3A_2, %dma_start3A_88] : memref<8192x128xf32, #tpu.memory_space<hbm>> -> memref<256x128xf32, #tpu.memory_space<hbm>>
    %dma_start3A_90 = arith.constant 0 : i32
    %dma_start3A_91 = tpu.memref_slice %arg6[%mul3A_2, %dma_start3A_90] : memref<8192x128xf32, #tpu.memory_space<hbm>> -> memref<256x128xf32, #tpu.memory_space<hbm>>
    tpu.enqueue_dma source(%arg10 : memref<256x128xf32, #tpu.memory_space<vmem>>) target(%dma_start3A_91 : memref<256x128xf32, #tpu.memory_space<hbm>>) target_semaphore(%arg12 : memref<!tpu.dma_semaphore, #tpu.memory_space<semaphore_mem>>)
    %dma_wait3A_92 = arith.constant 0 : i32
    %dma_wait3A_93 = tpu.memref_slice %arg5[%mul3A_2, %dma_wait3A_92] : memref<8192x128xf32, #tpu.memory_space<hbm>> -> memref<256x128xf32, #tpu.memory_space<hbm>>
    %dma_wait3A_94 = arith.constant 0 : i32
    %dma_wait3A_95 = tpu.memref_slice %arg5[%mul3A_2, %dma_wait3A_94] : memref<8192x128xf32, #tpu.memory_space<hbm>> -> memref<256x128xf32, #tpu.memory_space<hbm>>
    tpu.wait_dma2 semaphore(%arg12 : memref<!tpu.dma_semaphore, #tpu.memory_space<semaphore_mem>>) src(%arg9 : memref<256x128xf32, #tpu.memory_space<vmem>>) dst(%dma_wait3A_95 : memref<256x128xf32, #tpu.memory_space<hbm>>)
    %dma_wait3A_96 = arith.constant 0 : i32
    %dma_wait3A_97 = tpu.memref_slice %arg6[%mul3A_2, %dma_wait3A_96] : memref<8192x128xf32, #tpu.memory_space<hbm>> -> memref<256x128xf32, #tpu.memory_space<hbm>>
    %dma_wait3A_98 = arith.constant 0 : i32
    %dma_wait3A_99 = tpu.memref_slice %arg6[%mul3A_2, %dma_wait3A_98] : memref<8192x128xf32, #tpu.memory_space<hbm>> -> memref<256x128xf32, #tpu.memory_space<hbm>>
    tpu.wait_dma2 semaphore(%arg12 : memref<!tpu.dma_semaphore, #tpu.memory_space<semaphore_mem>>) src(%arg10 : memref<256x128xf32, #tpu.memory_space<vmem>>) dst(%dma_wait3A_99 : memref<256x128xf32, #tpu.memory_space<hbm>>)
    return
  }
}

module attributes {stable_mosaic.version = 14 : i64} {
  func.func @_tc_body(%arg0: i32, %arg1: memref<4096x128xf32, #tpu.memory_space<vmem>>, %arg2: memref<4096x128xf32, #tpu.memory_space<vmem>>, %arg3: memref<1x128xf32, #tpu.memory_space<vmem>>, %arg4: memref<1x128xf32, #tpu.memory_space<vmem>>, %arg5: memref<4096x128xf32, #tpu.memory_space<vmem>>) attributes {dimension_semantics = [#tpu.dimension_semantics<parallel>], iteration_bounds = array<i64: 2>, scalar_prefetch = 0 : i64, scratch_operands = 0 : i64, tpu.core_type = #tpu.core_type<tc>, window_params = [{transform_indices = @transform_0, window_bounds = array<i64: 4096, 128>}, {transform_indices = @transform_1, window_bounds = array<i64: 4096, 128>}, {pipeline_mode = #tpu.pipeline_mode<synchronous>, transform_indices = @transform_2, window_bounds = array<i64: 1, 128>}, {pipeline_mode = #tpu.pipeline_mode<synchronous>, transform_indices = @transform_3, window_bounds = array<i64: 1, 128>}, {transform_indices = @transform_4, window_bounds = array<i64: 4096, 128>}]} {
    %get3A = arith.constant 0 : index
    %get3A_0 = arith.constant 0 : index
    %get3A_1 = vector.load %arg1[%get3A, %get3A_0] : memref<4096x128xf32, #tpu.memory_space<vmem>>, vector<4096x128xf32>
    %get3A_2 = arith.constant 0 : index
    %get3A_3 = arith.constant 0 : index
    %get3A_4 = vector.load %arg2[%get3A_2, %get3A_3] : memref<4096x128xf32, #tpu.memory_space<vmem>>, vector<4096x128xf32>
    %add3A = arith.addf %get3A_1, %get3A_4 : vector<4096x128xf32>
    %reduce_sum3A = arith.constant dense<0.000000e+00> : vector<4096xf32>
    %reduce_sum3A_5 = vector.multi_reduction <add>, %add3A, %reduce_sum3A [1] : vector<4096x128xf32> to vector<4096xf32>
    %broadcast_in_dim3A = vector.shape_cast %reduce_sum3A_5 : vector<4096xf32> to vector<4096x1xf32>
    %div3A = arith.constant 1.280000e+02 : f32
    %div3A_6 = vector.broadcast %div3A : f32 to vector<4096x1xf32>
    %div3A_7 = arith.divf %broadcast_in_dim3A, %div3A_6 : vector<4096x1xf32>
    %sub3A = vector.broadcast %div3A_7 : vector<4096x1xf32> to vector<4096x128xf32>
    %sub3A_8 = arith.subf %add3A, %sub3A : vector<4096x128xf32>
    %mul3A = arith.mulf %sub3A_8, %sub3A_8 : vector<4096x128xf32>
    %reduce_sum3A_9 = arith.constant dense<0.000000e+00> : vector<4096xf32>
    %reduce_sum3A_10 = vector.multi_reduction <add>, %mul3A, %reduce_sum3A_9 [1] : vector<4096x128xf32> to vector<4096xf32>
    %broadcast_in_dim3A_11 = vector.shape_cast %reduce_sum3A_10 : vector<4096xf32> to vector<4096x1xf32>
    %div3A_12 = arith.constant 1.280000e+02 : f32
    %div3A_13 = vector.broadcast %div3A_12 : f32 to vector<4096x1xf32>
    %div3A_14 = arith.divf %broadcast_in_dim3A_11, %div3A_13 : vector<4096x1xf32>
    %add3A_15 = arith.constant 7.812500e-08 : f32
    %add3A_16 = vector.broadcast %add3A_15 : f32 to vector<4096x1xf32>
    %add3A_17 = arith.addf %div3A_14, %add3A_16 : vector<4096x1xf32>
    %rsqrt3A = math.rsqrt %add3A_17 : vector<4096x1xf32>
    %mul3A_18 = vector.broadcast %rsqrt3A : vector<4096x1xf32> to vector<4096x128xf32>
    %mul3A_19 = arith.mulf %sub3A_8, %mul3A_18 : vector<4096x128xf32>
    %get3A_20 = arith.constant 0 : index
    %get3A_21 = arith.constant 0 : index
    %get3A_22 = vector.load %arg3[%get3A_20, %get3A_21] : memref<1x128xf32, #tpu.memory_space<vmem>>, vector<1x128xf32>
    %mul3A_23 = vector.broadcast %get3A_22 : vector<1x128xf32> to vector<4096x128xf32>
    %mul3A_24 = arith.mulf %mul3A_19, %mul3A_23 : vector<4096x128xf32>
    %get3A_25 = arith.constant 0 : index
    %get3A_26 = arith.constant 0 : index
    %get3A_27 = vector.load %arg4[%get3A_25, %get3A_26] : memref<1x128xf32, #tpu.memory_space<vmem>>, vector<1x128xf32>
    %add3A_28 = vector.broadcast %get3A_27 : vector<1x128xf32> to vector<4096x128xf32>
    %add3A_29 = arith.addf %mul3A_24, %add3A_28 : vector<4096x128xf32>
    %swap3A = arith.constant 0 : index
    %swap3A_30 = arith.constant 0 : index
    %swap3A_31 = vector.load %arg5[%swap3A, %swap3A_30] : memref<4096x128xf32, #tpu.memory_space<vmem>>, vector<4096x128xf32>
    tpu.vector_store %arg5[%swap3A, %swap3A_30], %add3A_29 {strides = array<i32>} : memref<4096x128xf32, #tpu.memory_space<vmem>>, vector<4096x128xf32>,
    return
  }
  func.func @transform_0(%arg0: i32) -> (i32, i32) {
    %c0_i32 = arith.constant 0 : i32
    %c0_i32_0 = arith.constant 0 : i32
    return %arg0, %c0_i32 : i32, i32
  }
  func.func @transform_1(%arg0: i32) -> (i32, i32) {
    %c0_i32 = arith.constant 0 : i32
    %c0_i32_0 = arith.constant 0 : i32
    return %arg0, %c0_i32 : i32, i32
  }
  func.func @transform_2(%arg0: i32) -> (i32, i32) {
    %c0_i32 = arith.constant 0 : i32
    %c0_i32_0 = arith.constant 0 : i32
    %c0_i32_1 = arith.constant 0 : i32
    return %c0_i32, %c0_i32_0 : i32, i32
  }
  func.func @transform_3(%arg0: i32) -> (i32, i32) {
    %c0_i32 = arith.constant 0 : i32
    %c0_i32_0 = arith.constant 0 : i32
    %c0_i32_1 = arith.constant 0 : i32
    return %c0_i32, %c0_i32_0 : i32, i32
  }
  func.func @transform_4(%arg0: i32) -> (i32, i32) {
    %c0_i32 = arith.constant 0 : i32
    %c0_i32_0 = arith.constant 0 : i32
    return %arg0, %c0_i32 : i32, i32
  }
}

</mosaic_0001>

<sc_bundles>
// kernel: kernel.4.cloned.1.call-start
scs
__scs_entry_jumppad:
0x0: {  	(pc) =	sbr.rel $0x88, $3  }
0x1: {  	(tag) =	ssettag $0x0;
	lr =	simm.s32 $0x1  }
0x2: {  	[smem:$0x3F99] =	sst lr;
	_ =	strace $0xD0000000  }
0x3: {  	_ = 	snop  }
0x4: {  	_ = 	snop  }
0x5: {  	_ = 	snop  }
0x6: {  	_ = 	snop  }
0x7: {  	_ = 	snop  }
__scs_overlays_trampoline_lowered:
0x8: {  	[smem:$0x3FA8] =	sst s0  }
0x9: {  	[smem:$0x3FA9] =	sst s1  }
0xa: {  	[smem:$0x3FAA] =	sst s2  }
0xb: {  	[smem:$0x3FAB] =	sst s3  }
0xc: {  	[smem:$0x3FAC] =	sst s4  }
0xd: {  	[smem:$0x3FAD] =	sst s5  }
0xe: {  	[smem:$0x3FAE] =	sst s6  }
0xf: {  	[smem:$0x3FAF] =	sst s7  }
0x10: {  	[smem:$0x3FB0] =	sst s8  }
0x11: {  	[smem:$0x3FB1] =	sst s9;
	s0 =	simm.s32 @!p0 $0x0  }
0x12: {  	s1 =	sld [smem:$0x3F97];
	s0 =	simm.s32 @p0 $0x1  }
0x13: {  	[smem:$0x3FB2] =	sst s0;
	s0 =	simm.s32 @!p1 $0x0  }
0x14: {  	s2 =	sld [smem:$0x3F96];
	s0 =	simm.s32 @p1 $0x1  }
0x15: {  	[smem:$0x3FB3] =	sst s0;
	s0 =	simm.s32 @!p2 $0x0  }
0x16: {  	s3 =	sld [smem:$0x3FDB];
	s0 =	simm.s32 @p2 $0x1  }
0x17: {  	s4 =	simm.s32 $0x1BF5;
	[smem:$0x3FB5] =	sst s0  }
0x18: {  	s0 =	sld [smem:$0x3F98];
	_ =	swait.ge [sflag:s4], $0x0  }
0x19: {  	s7 =	sld [smem:$0x3F99]  }
0x1a: {  	s8 =	sadd.s32 $0xFFFFE003, lr  }
0x1b: {  	s9 =	sadd.s32 $0xFFFFFEF7, lr;
	s5 =	simm.s32 $0xFFFFFFFF;
	p2 =	slt.u32 s8, $0xFFFFF086  }
0x1c: {  	p1 =	slt.u32 s9, $0xF7A;
	s5 =	simm.s32 @!p2 $0x0  }
0x1d: {  	s5 =	simm.s32 @p1 $0x1;
	p0 =	seq.s32 s7, s2  }
0x1e: {  	s7 =	smul.u32 @!p0 $0xF7A, s2;
	p2 =	seq.s32 @!p0 s5, $0x0  }
0x1f: {  	s9 =	smul.u32 $0xF7A, s1;
	s8 =	simm.s32 @!p0 $0x1BF5;
	p2 =	por !p2, p0  }
0x20: {  	[sflag:s8] =	ssyncset.s32 @!p0 $0xFFFFF086;
	s6 =	sadd.s32 @!p0 s3, s7;
	s7 =	simm.s32 @!p0 $0x108  }
0x21: {  	s3 =	sadd.s32 s3, s9;
	s6 =	sadd.s32 @!p0 $0x88, s6;
	s7 =	simm.s32 @p2 $0x1082  }
0x22: {  	[simem:s7], [sflag:s8] =	dma.local @!p0 [hbm:s6], $0xF7A  }
0x23: {  	s9 =	sor.u32 $0xD0000000, s2;
	s6 =	simm.s32 $0x108;
	_ =	swait.ge @!p0 [sflag:s8], $0x0  }
0x24: {  	s3 =	sadd.s32 $0x88, s3;
	s6 =	simm.s32 @!p1 $0x1082;
	[sflag:s4] =	ssyncset.s32 $0xFFFFF086  }
0x25: {  	[simem:s6], [sflag:s4] =	dma.local [hbm:s3], $0xF7A  }
0x26: {  	[smem:$0x3F99] =	sst s1;
	(tag) =	ssettag s2;
	_ =	strace s9  }
0x27: {  	s1 =	sld [smem:$0x3FA9]  }
0x28: {  	s2 =	sld [smem:$0x3FAA]  }
0x29: {  	s4 =	sld [smem:$0x3FAC]  }
0x2a: {  	p0 =	seq.s32 s5, $0x0;
	s5 =	sld [smem:$0x3FAD]  }
0x2b: {  	s6 =	sld [smem:$0x3FAE]  }
0x2c: {  	s7 =	sld [smem:$0x3FAF]  }
0x2d: {  	s3 =	simm.s32 $0x108;
	s8 =	sld [smem:$0x3FB0]  }
0x2e: {  	s3 =	simm.s32 @!p0 $0x1082;
	s9 =	sld [smem:$0x3FB1]  }
0x2f: {  	lr =	sadd.s32 s0, s3;
	s0 =	sld [smem:$0x3FA8]  }
0x30: {  	s3 =	sld [smem:$0x3FAB]  }
0x31: {  	[smem:$0x3FB4] =	sst s10  }
0x32: {  	s10 =	sld [smem:$0x3FB2];
	_ =	sdelay $0x3  }
0x33: {  	p0 =	seq.s32 s10, $0x1;
	s10 =	sld [smem:$0x3FB4];
	_ =	sdelay $0x3  }
0x34: {  	[smem:$0x3FB4] =	sst s10  }
0x35: {  	s10 =	sld [smem:$0x3FB3];
	_ =	sdelay $0x3  }
0x36: {  	p1 =	seq.s32 s10, $0x1;
	s10 =	sld [smem:$0x3FB4];
	_ =	sdelay $0x3  }
0x37: {  	[smem:$0x3FB4] =	sst s10  }
0x38: {  	s10 =	sld [smem:$0x3FB5]  }
0x39: {  	_ = 	snop;
	(pc) =	sbr.ind lr, $3  }
0x3a: {  	_ = 	snop  }
0x3b: {  	_ = 	snop  }
0x3c: {  	p2 =	seq.s32 s10, $0x1;
	s10 =	sld [smem:$0x3FB4]  }
0x3d: {  	_ =	shalt  }
0x3e: {  	_ =	shalt  }
0x3f: {  	_ =	shalt  }
0x40: {  	_ =	shalt  }
0x41: {  	_ =	shalt  }
0x42: {  	_ =	shalt  }
0x43: {  	_ =	shalt  }
0x44: {  	_ =	shalt  }
0x45: {  	_ =	shalt  }
0x46: {  	_ =	shalt  }
0x47: {  	_ =	shalt  }
0x48: {  	_ =	shalt  }
0x49: {  	_ =	shalt  }
0x4a: {  	_ =	shalt  }
0x4b: {  	_ =	shalt  }
0x4c: {  	_ =	shalt  }
0x4d: {  	_ =	shalt  }
0x4e: {  	_ =	shalt  }
0x4f: {  	_ =	shalt  }
0x50: {  	_ =	shalt  }
0x51: {  	_ =	shalt  }
0x52: {  	_ =	shalt  }
0x53: {  	_ =	shalt  }
0x54: {  	_ =	shalt  }
0x55: {  	_ =	shalt  }
0x56: {  	_ =	shalt  }
0x57: {  	_ =	shalt  }
0x58: {  	_ =	shalt  }
0x59: {  	_ =	shalt  }
0x5a: {  	_ =	shalt  }
0x5b: {  	_ =	shalt  }
0x5c: {  	_ =	shalt  }
0x5d: {  	_ =	shalt  }
0x5e: {  	_ =	shalt  }
0x5f: {  	_ =	shalt  }
0x60: {  	_ =	shalt  }
0x61: {  	_ =	shalt  }
0x62: {  	_ =	shalt  }
0x63: {  	_ =	shalt  }
0x64: {  	_ =	shalt  }
0x65: {  	_ =	shalt  }
0x66: {  	_ =	shalt  }
0x67: {  	_ =	shalt  }
0x68: {  	_ =	shalt  }
0x69: {  	_ =	shalt  }
0x6a: {  	_ =	shalt  }
0x6b: {  	_ =	shalt  }
0x6c: {  	_ =	shalt  }
0x6d: {  	_ =	shalt  }
0x6e: {  	_ =	shalt  }
0x6f: {  	_ =	shalt  }
0x70: {  	_ =	shalt  }
0x71: {  	_ =	shalt  }
0x72: {  	_ =	shalt  }
0x73: {  	_ =	shalt  }
0x74: {  	_ =	shalt  }
0x75: {  	_ =	shalt  }
0x76: {  	_ =	shalt  }
0x77: {  	_ =	shalt  }
0x78: {  	_ =	shalt  }
0x79: {  	_ =	shalt  }
0x7a: {  	_ =	shalt  }
0x7b: {  	_ =	shalt  }
0x7c: {  	_ =	shalt  }
0x7d: {  	_ =	shalt  }
0x7e: {  	_ =	shalt  }
0x7f: {  	_ =	shalt  }
0x80: {  	_ =	shalt  }
0x81: {  	_ =	shalt  }
0x82: {  	_ =	shalt  }
0x83: {  	_ =	shalt  }
0x84: {  	_ =	shalt  }
0x85: {  	_ =	shalt  }
0x86: {  	_ =	shalt  }
0x87: {  	_ =	shalt  }
.Lfunc_end0:
.L_simem_size_0:
called_computation_lowered:
.L_overlay_start_0:
0x88: {  	s2 =	sld [smem:$0x3FD9]  }
0x89: {  	s3 =	sld [smem:$0x3FFE];
	_ =	sdelay $0x1  }
0x8a: {  	s1 =	srdreg.scid  }
0x8b: {  	s0 =	sand.u32 $0x1, s1  }
0x8c: {  	s17 =	sshll.u32 s0, $0xA;
	s2 =	sadd.s32 s3, s2  }
0x8d: {  	s2 =	sadd.s32 s2, s17  }
0x8e: {  	[smem:$0x3FC0] =	sst s2  }
0x8f: {  	_ = 	snop  }
0x90: {  	s2 =	sld [smem:$0x3FC6]  }
0x91: {  	s18 =	sld [smem:$0x3FD0];
	(tm) =	ssettm $0x1  }
0x92: {  	s4 =	sld [smem:$0x3FFB];
	_ =	sdelay $0x3  }
0x93: {  	_ =	strace s4  }
0x94: {  	s4 =	sld [smem:$0x3FFC];
	_ =	sdelay $0x3  }
0x95: {  	_ =	strace s4  }
0x96: {  	s4 =	sld [smem:$0x3FFD];
	_ =	sdelay $0x3  }
0x97: {  	_ =	strace s4  }
0x98: {  	_ =	strace $0x8FFFFFFF  }
0x99: {  	s19 =	sld [smem:$0x3FDB];
	_ =	sdelay $0x1  }
0x9a: {  	s5 =	simm.s32 $_scs_section_size  }
0x9b: {  	s6 =	simm.s32 $_size__tile_overlayer_lowered;
	s7 =	simm.s32 $_tile_overlayer_lowered  }
0x9c: {  	s22 =	simm.s32 $0x1BFF;
	s21 =	sshll.u32 s7, $0x1;
	s4 =	sadd.s32 s5, s19  }
0x9d: {  	s8 =	simm.s32 $0x0;
	s20 =	sshll.u32 s6, $0x1;
	s6 =	sadd.s32 s21, s4  }
0x9e: {  	[timem:s8], [sflag:s22] =	dma.local [hbm:s6], s20  }
0x9f: {  	_ =	swait.ge [sflag:s22], s20  }
0xa0: {  	s5 =	ssub.s32 $0x0, s20;
	[sflag:s22] =	ssyncset.done $0x0  }
0xa1: {  	[sflag:s22] =	ssyncadd.s32 s5;
	_ =	sdelay $0x1  }
0xa2: {  	s23 =	simm.s32 $0x1B8B  }
0xa3: {  	_ =	swait.ge [sflag:s23], $0x1  }
0xa4: {  	[sflag:s23] =	ssyncset.done $0x0  }
0xa5: {  	s25 =	simm.s32 $0x1B8E;
	s24 =	sld [smem:$0x3FFE];
	[sflag:s23] =	ssyncadd.s32 $0xFFFFFFFF  }
0xa6: {  	s26 =	simm.s32 $execute0_lowered;
	[smem:$0x3FD2] =	sst s25  }
0xa7: {  	s6 =	sshll.u32 s26, $0x1;
	_ =	strace $0x80000046;
	[dreg:$0x1] =	wrdreg $0xFFFFFFFF  }
0xa8: {  	s28 =	simm.s32 $_size_execute0_lowered;
	s4 =	sadd.s32 s4, s6;
	[dreg:$0x0] =	wrdreg $0x0  }
0xa9: {  	s6 =	sshll.u32 s28, $0x1;
	[dreg:$0x2] =	wrdreg s4  }
0xaa: {  	[dreg:$0x3] =	wrdreg s6  }
0xab: {  	[dreg:$0x4] =	wrdreg $0xC0  }
0xac: {  	_ =	task [dreg:s8], $0x5FFFF  }
0xad: {  	[dreg:$0x1] =	wrdreg $0xFFFFFFFF  }
0xae: {  	[dreg:$0x0] =	wrdreg $0x60  }
0xaf: {  	[dreg:$0x2] =	wrdreg s24  }
0xb0: {  	[dreg:$0x3] =	wrdreg s2  }
0xb1: {  	[dreg:$0x4] =	wrdreg s18  }
0xb2: {  	[dreg:$0x5] =	wrdreg $0x9  }
0xb3: {  	_ =	task.clear_ibuf [dreg:s8], $0x6FFFF;
	_ =	strace $0x90000046  }
0xb4: {  	s29 =	simm.s32 $0x9;
	_ =	strace $0x80000048  }
0xb5: {  	_ =	swait.ge [sflag:s29], $0x1  }
0xb6: {  	[sflag:s29] =	ssyncadd.s32 $0xFFFFFFFF  }
0xb7: {  	_ =	strace $0x90000048  }
0xb8: {  	_ =	sfence  }
0xb9: {  	s30 =	sld [smem:$0x0];
	_ =	sdelay $0x2  }
0xba: {  	s31 =	sshll.u32 s1, $0xD;
	s1 =	sshrl.u32 s1, $0x2  }
0xbb: {  	s3 =	sand.u32 $0x4000, s31;
	s1 =	sadd.s32 s1, s30  }
0xbc: {  	s0 =	sor.u32 s3, s0;
	s1 =	sshll.u32 s1, $0x11  }
0xbd: {  	s0 =	sor.u32 s1, s0  }
0xbe: {  	s0 =	sadd.s32 $0x8F2B, s0  }
0xbf: {  	[sflag:s0] =	ssyncadd.remote.s32 $0x1  }
0xc0: {  	_ =	sfence.sel $0xFFFF  }
0xc1: {  	[dreg:$0x0] =	wrdreg $0xFFFFFFFF;
	(pc) =	sbr.abs _section_cstart, $3  }
0xc2: {  	[dreg:$0x1] =	wrdreg $0xFFFFFFFF  }
0xc3: {  	_ =	task.clear_ibuf [dreg:s8], $0x2FFFF;
	_ =	strace $0x9FFFFFFF  }
0xc4: {  	(tm) =	ssettm $0x7FFFFFFF  }
0xc5: {  	_ =	shalt  }
tec
execute0_lowered:
.L_overlay_start_1:
0x0: {  	(tag) =	ssettag $0x1  }
0x1: {  	s1 =	srdreg.scid  }
0x2: {  	s0 =	stileid.u32;
	s17 =	sand.u32 $0x1, s1  }
0x3: {  	s16 =	rddreg [dreg:$0x0];
	s29 =	sshll.u32 s0, $0x9;
	s3 =	sshll.u32 s17, $0x8  }
0x4: {  	s2 =	rddreg [dreg:$0x1];
	s19 =	sor.u32 s3, s29  }
0x5: {  	s18 =	rddreg [dreg:$0x2];
	s3 =	simm.s32 $0x0;
	s4 =	sshrl.u32 s19, $0x3  }
0x6: {  	s5 =	simm.s32 $0x3;
	[smem:$0x7FF] =	sst s3;
	s6 =	sadd.s32 s4, s16  }
0x7: {  	s1 =	rddreg [dreg:$0x3];
	_ =	strace $0x80000047;
	s4 =	sadd.s32 $0x1400, s6  }
0x8: {  	[tilespmem:s3], [sflag:$0x3] =	stream.linear.gather [hbm4b:s4+s3], $0x100, $0x38;
	[tilespmem:$0x10200] =	vst v63  }
0x9: {  	_ =	swait.ge [sflag:s5], $0x100  }
0xa: {  	[sflag:s5] =	ssyncset.done $0x0  }
0xb: {  	s7 =	simm.s32 $0x100;
	s6 =	sadd.s32 $0x1800, s6;
	[sflag:s5] =	ssyncadd.s32 $0xFFFFFF00  }
0xc: {  	[tilespmem:s7], [sflag:$0x3] =	stream.linear.gather [hbm4b:s6+s3], $0x100, $0x38;
	[tilespmem:$0x10200] =	vst v63  }
0xd: {  	_ =	swait.ge [sflag:s5], $0x100  }
0xe: {  	[sflag:s5] =	ssyncset.done $0x0  }
0xf: {  	s8 =	simm.s32 $0x80;
	s9 =	simm.s32 $0x200;
	[sflag:s5] =	ssyncadd.s32 $0xFFFFFF00  }
0x10: {  	[tilespmem:s9], [sflag:$0x1] =	stream.indirect.gather [hbm4b:s2+s8], $0x80, s3, s8, $0xb8;
	[tilespmem:$0x10200] =	vst v63  }
0x11: {  	s11 =	simm.s32 $0x8200;
	s10 =	sadd.s32 $0x1C00, s16  }
0x12: {  	[tilespmem:s11], [sflag:$0x1] =	stream.indirect.gather [hbm4b:s10+s8], $0x80, s7, s8, $0xb8;
	[tilespmem:$0x10200] =	vst v63  }
0x13: {  	s12 =	simm.s32 $0x4200  }
0x14: {  	[tilespmem:s12], [sflag:$0x1] =	stream.indirect.gather [hbm4b:s2+s8], $0x80, s8, s8, $0xb8;
	[tilespmem:$0x10200] =	vst v63  }
0x15: {  	s13 =	simm.s32 $0x180;
	s14 =	simm.s32 $0xC200;
	s15 =	simm.s32 $0x1  }
0x16: {  	[tilespmem:s14], [sflag:$0x1] =	stream.indirect.gather [hbm4b:s10+s8], $0x80, s13, s8, $0xb8;
	[tilespmem:$0x10200] =	vst v63  }
0x17: {  	_ =	swait.ge [sflag:s15], $0x4000  }
0x18: {  	[sflag:s15] =	ssyncset.done $0x0  }
0x19: {  	[sflag:s15] =	ssyncadd.s32 $0xFFFFC000  }
0x1a: {  	_ =	swait.ge [sflag:s15], $0x4000  }
0x1b: {  	[sflag:s15] =	ssyncset.done $0x0  }
0x1c: {  	[sflag:s15] =	ssyncadd.s32 $0xFFFFC000  }
0x1d: {  	_ =	swait.ge [sflag:s15], $0x4000  }
0x1e: {  	[sflag:s15] =	ssyncset.done $0x0  }
0x1f: {  	s30 =	ssub.s32 $0x2, s17;
	s19 =	sshll.u32 s19, $0x4;
	[sflag:s15] =	ssyncadd.s32 $0xFFFFC000  }
0x20: {  	s31 =	sshrl.u32 s30, $0x1;
	s20 =	sadd.s32 s19, s16;
	_ =	swait.ge [sflag:s15], $0x4000  }
0x21: {  	s16 =	sadd.s32 s18, s19;
	s19 =	ssub.s32 s30, s31;
	[sflag:s15] =	ssyncset.done $0x0  }
0x22: {  	s19 =	smax.u32 s19, $0x1;
	[sflag:s15] =	ssyncadd.s32 $0xFFFFC000  }
0x23: {  	[hbm4b:s16+s3] =	stream.linear.scatter [tilespmem:s9], [sflag:$0x2], $0x8000, $0x38;
	[tilespmem:$0x10200] =	vst v63  }
0x24: {  	s17 =	simm.s32 $0x2;
	s18 =	sadd.s32 $0x19C00, s20;
	p0 =	sne.s32 s19, $0x1  }
0x25: {  	[hbm4b:s18+s3] =	stream.linear.scatter [tilespmem:s11], [sflag:$0x2], $0x8000, $0x38;
	[tilespmem:$0x10200] =	vst v63  }
.Ltmp0:
0x26: {  	_ =	swait.ge [sflag:s17], $0x8000;
	(pc) =	sbr.rel @!p0 .LBB2_2-.Ltmp0, $4  }
0x27: {  	[sflag:s17] =	ssyncset.done $0x0  }
0x28: {  	[sflag:s17] =	ssyncadd.s32 $0xFFFF8000  }
0x29: {  	_ =	swait.ge [sflag:s17], $0x8000  }
0x2a: {  	s19 =	sadd.s32 $0xFFFFFFFF, s19;
	[sflag:s17] =	ssyncset.done $0x0  }
.LBB2_1:
0x2b: {  	p0 =	sne.s32 s19, $0x1;
	s19 =	sadd.s32 $0xFFFFFFFF, s19;
	[sflag:s17] =	ssyncadd.s32 $0xFFFF8000  }
0x2c: {  	[tilespmem:s3], [sflag:$0x3] =	stream.linear.gather [hbm4b:s4+s3], $0x100, $0x38;
	[tilespmem:$0x10200] =	vst v63  }
0x2d: {  	_ =	swait.ge [sflag:s5], $0x100  }
0x2e: {  	[sflag:s5] =	ssyncset.done $0x0  }
0x2f: {  	[sflag:s5] =	ssyncadd.s32 $0xFFFFFF00  }
0x30: {  	[tilespmem:s7], [sflag:$0x3] =	stream.linear.gather [hbm4b:s6+s3], $0x100, $0x38;
	[tilespmem:$0x10200] =	vst v63  }
0x31: {  	_ =	swait.ge [sflag:s5], $0x100  }
0x32: {  	[sflag:s5] =	ssyncset.done $0x0  }
0x33: {  	[sflag:s5] =	ssyncadd.s32 $0xFFFFFF00  }
0x34: {  	[tilespmem:s9], [sflag:$0x1] =	stream.indirect.gather [hbm4b:s2+s8], $0x80, s3, s8, $0xb8;
	[tilespmem:$0x10200] =	vst v63  }
0x35: {  	_ = 	snop  }
0x36: {  	[tilespmem:s11], [sflag:$0x1] =	stream.indirect.gather [hbm4b:s10+s8], $0x80, s7, s8, $0xb8;
	[tilespmem:$0x10200] =	vst v63  }
0x37: {  	_ = 	snop  }
0x38: {  	[tilespmem:s12], [sflag:$0x1] =	stream.indirect.gather [hbm4b:s2+s8], $0x80, s8, s8, $0xb8;
	[tilespmem:$0x10200] =	vst v63  }
0x39: {  	_ = 	snop  }
0x3a: {  	[tilespmem:s14], [sflag:$0x1] =	stream.indirect.gather [hbm4b:s10+s8], $0x80, s13, s8, $0xb8;
	[tilespmem:$0x10200] =	vst v63  }
0x3b: {  	_ =	swait.ge [sflag:s15], $0x4000  }
0x3c: {  	[sflag:s15] =	ssyncset.done $0x0  }
0x3d: {  	[sflag:s15] =	ssyncadd.s32 $0xFFFFC000  }
0x3e: {  	_ =	swait.ge [sflag:s15], $0x4000  }
0x3f: {  	[sflag:s15] =	ssyncset.done $0x0  }
0x40: {  	[sflag:s15] =	ssyncadd.s32 $0xFFFFC000  }
0x41: {  	_ =	swait.ge [sflag:s15], $0x4000  }
0x42: {  	[sflag:s15] =	ssyncset.done $0x0  }
0x43: {  	[sflag:s15] =	ssyncadd.s32 $0xFFFFC000  }
0x44: {  	_ =	swait.ge [sflag:s15], $0x4000  }
0x45: {  	[sflag:s15] =	ssyncset.done $0x0  }
0x46: {  	[sflag:s15] =	ssyncadd.s32 $0xFFFFC000  }
0x47: {  	[hbm4b:s16+s3] =	stream.linear.scatter [tilespmem:s9], [sflag:$0x2], $0x8000, $0x38;
	[tilespmem:$0x10200] =	vst v63  }
0x48: {  	_ = 	snop  }
0x49: {  	[hbm4b:s18+s3] =	stream.linear.scatter [tilespmem:s11], [sflag:$0x2], $0x8000, $0x38;
	[tilespmem:$0x10200] =	vst v63  }
.Ltmp1:
0x4a: {  	_ =	swait.ge [sflag:s17], $0x8000;
	(pc) =	sbr.rel @p0 .LBB2_1-.Ltmp1, $4  }
0x4b: {  	[sflag:s17] =	ssyncset.done $0x0  }
0x4c: {  	[sflag:s17] =	ssyncadd.s32 $0xFFFF8000  }
0x4d: {  	_ =	swait.ge [sflag:s17], $0x8000  }
0x4e: {  	[sflag:s17] =	ssyncset.done $0x0  }
.LBB2_2:
0x4f: {  	[sflag:s17] =	ssyncadd.s32 $0xFFFF8000  }
0x50: {  	_ =	sfence.sel $0x180000  }
0x51: {  	[bflag:$0x0] =	sbarrier.arrive $0xFFFF  }
0x52: {  	p0 =	sne.s32 s0, $0x0;
	_ =	strace $0x90000047  }
0x53: {  	s0 =	sadd.s32 @!p0 $0x100000, s1;
	[bflag:$0x2] =	sbarrier.arrive $0xFFFF  }
0x54: {  	[sflag:s0] =	ssyncadd.tile.s32 @!p0 $0x1;
	_ =	shalt  }
.Lfunc_end2:
_tile_overlayer_lowered:
.L_overlay_start_2:
0x55: {  	(tag) =	ssettag $0x2  }
0x56: {  	s0 =	rddreg [dreg:$0x0];
	s2 =	stileid.u32  }
0x57: {  	s1 =	rddreg [dreg:$0x1];
	p0 =	sne.s32 s2, $0x0  }
0x58: {  	s3 =	rddreg [dreg:$0x2];
	[bflag:$0x3] =	sbarrier.arrive $0xFFFF;
	s2 =	simm.s32 @!p0 $0x1C03  }
0x59: {  	[timem:s3], [sflag:s2] =	dma.local @!p0 [hbm:s0], s1  }
0x5a: {  	s0 =	simm.s32 @!p0 $0x3  }
0x5b: {  	_ =	swait.ge @!p0 [sflag:s0], s1  }
0x5c: {  	s1 =	ssub.s32 @!p0 $0x0, s1;
	[sflag:s0] =	ssyncset.done @!p0 $0x0  }
0x5d: {  	[sflag:s0] =	ssyncadd.s32 @!p0 s1  }
0x5e: {  	[bflag:$0x3] =	sbarrier.arrive $0xFFFF  }
0x5f: {  	_ =	shalt  }

</sc_bundles>
